<compile_context>
chip_gen: v7x
topology: tpu7x:2x2x1
jax: 0.10.2.dev20260603
libtpu: 0.0.44.dev20260713+nightly
codegen_flags: <defaults>
</compile_context>

<pallas_src>
import functools

import jax
import jax.numpy as jnp
from jax import lax
from jax.experimental import pallas as pl
from jax.experimental.pallas import tpu as pltpu
from jax.experimental.pallas import tpu_sc as plsc

BATCH = 16384
EMBED = 64
STYLE = 128
N_EMO = 32
N_SPK = 100000

NC = 2
NS = 16
NW = NC * NS
B_PER_W = BATCH // NW
IDX_CHUNK = 128
N_CHUNKS = B_PER_W // IDX_CHUNK

BB = 8192
N_BLK = BATCH // BB

TB = 25600
N_TBLK = -(-N_SPK // TB)


def _project_body(tt_ref, w1_ref, out_ref):
    w1s = w1_ref[...][:, :EMBED]
    out_ref[...] = lax.dot_general(
        tt_ref[...], w1s, (((0,), (1,)), ((), ())),
        preferred_element_type=jnp.float32)


def _project_table(tableT, w1):
    return pl.pallas_call(
        _project_body,
        grid=(N_TBLK,),
        in_specs=[
            pl.BlockSpec((EMBED, TB), lambda i: (0, i)),
            pl.BlockSpec((STYLE, 2 * EMBED), lambda i: (0, 0)),
        ],
        out_specs=pl.BlockSpec((TB, STYLE), lambda i: (i, 0)),
        out_shape=jax.ShapeDtypeStruct((N_TBLK * TB, STYLE), jnp.float32),
        compiler_params=pltpu.CompilerParams(
            vmem_limit_bytes=56 * 1024 * 1024),
    )(tableT, w1)


def _sc_gather_body(idx_hbm, table_hbm, out_hbm, idx_v, rows_v, gsem, osem):
    wid = lax.axis_index("s") * NC + lax.axis_index("c")
    base = wid * B_PER_W
    pltpu.sync_copy(idx_hbm.at[pl.ds(base, B_PER_W)], idx_v)
    copies = [
        pltpu.async_copy(
            table_hbm.at[idx_v.at[pl.ds(j * IDX_CHUNK, IDX_CHUNK)]],
            rows_v.at[pl.ds(j * IDX_CHUNK, IDX_CHUNK)],
            gsem,
        )
        for j in range(N_CHUNKS)
    ]
    outs = []
    for j in range(N_CHUNKS):
        copies[j].wait()
        sl = pl.ds(j * IDX_CHUNK, IDX_CHUNK)
        outs.append(
            pltpu.async_copy(
                rows_v.at[sl], out_hbm.at[pl.ds(base + j * IDX_CHUNK,
                                                IDX_CHUNK)], osem))
    for o in outs:
        o.wait()


@functools.lru_cache(maxsize=None)
def _make_spk_gather():
    return pl.kernel(
        _sc_gather_body,
        out_type=jax.ShapeDtypeStruct((BATCH, STYLE), jnp.float32),
        mesh=plsc.VectorSubcoreMesh(core_axis_name="c", subcore_axis_name="s",
                                    num_cores=NC, num_subcores=NS),
        scratch_types=[
            pltpu.VMEM((B_PER_W,), jnp.int32),
            pltpu.VMEM((B_PER_W, STYLE), jnp.float32),
            pltpu.SemaphoreType.DMA,
            pltpu.SemaphoreType.DMA,
        ],
        compiler_params=pltpu.CompilerParams(use_tc_tiling_on_sc=False),
    )


def _mlp_body(spk_ref, eid_ref, emo_ref, w1_ref, b1_ref, w2_ref, b2_ref,
              out_ref):
    eid = eid_ref[...]
    onehot = (eid[:, None] == lax.broadcasted_iota(jnp.int32, (BB, N_EMO), 1)
              ).astype(jnp.float32)
    w1e = w1_ref[...][:, EMBED:]
    emo_proj = lax.dot_general(
        emo_ref[...], w1e, (((1,), (1,)), ((), ())),
        preferred_element_type=jnp.float32) + b1_ref[...][None, :]
    h = spk_ref[...] + jnp.dot(onehot, emo_proj,
                               preferred_element_type=jnp.float32)
    h = jnp.maximum(h, 0.0)
    out_ref[...] = lax.dot_general(
        h, w2_ref[...], (((1,), (1,)), ((), ())),
        preferred_element_type=jnp.float32) + b2_ref[...][None, :]


def _mlp(spk, eid, emo_table, w1, b1, w2, b2):
    return pl.pallas_call(
        _mlp_body,
        grid=(N_BLK,),
        in_specs=[
            pl.BlockSpec((BB, STYLE), lambda i: (i, 0)),
            pl.BlockSpec((BB,), lambda i: (i,)),
            pl.BlockSpec((N_EMO, EMBED), lambda i: (0, 0)),
            pl.BlockSpec((STYLE, 2 * EMBED), lambda i: (0, 0)),
            pl.BlockSpec((STYLE,), lambda i: (0,)),
            pl.BlockSpec((STYLE, STYLE), lambda i: (0, 0)),
            pl.BlockSpec((STYLE,), lambda i: (0,)),
        ],
        out_specs=pl.BlockSpec((BB, STYLE), lambda i: (i, 0)),
        out_shape=jax.ShapeDtypeStruct((BATCH, STYLE), jnp.float32),
    )(spk, eid, emo_table, w1, b1, w2, b2)


def kernel(speaker_id, emotion_id, spk_table, emo_table, W1, b1, W2, b2):
    sid = speaker_id.astype(jnp.int32)
    eid = emotion_id.astype(jnp.int32)
    proj = _project_table(spk_table.T, W1)
    spk = _make_spk_gather()(sid, proj)
    out = _mlp(spk, eid, emo_table, W1, b1, W2, b2)
    return out

# --- scband reference (transcript-rebuilt; emitter-appended) ---
"""Pipeline reference for scband-style-encoder-8641474199744 (READ-ONLY COPY).

The authoritative reference and input builder live on the scoring server;
editing this copy changes nothing except your own understanding.
"""

import jax, jax.numpy as jnp
import numpy as np

N_SPEAKERS = 100000
N_EMOTIONS = 32
EMBED_DIM = 64
STYLE_DIM = 128
BATCH = 16384


def setup_inputs(seed: int = 0) -> dict:
    key = jax.random.key(seed)
    ks = jax.random.split(key, 8)
    speaker_id = jax.random.randint(ks[0], (BATCH,), 0, N_SPEAKERS, dtype=jnp.int64 if jax.config.jax_enable_x64 else jnp.int32)
    emotion_id = jax.random.randint(ks[1], (BATCH,), 0, N_EMOTIONS, dtype=jnp.int64 if jax.config.jax_enable_x64 else jnp.int32)
    spk_table = jax.random.normal(ks[2], (N_SPEAKERS, EMBED_DIM), dtype=jnp.float32)
    emo_table = jax.random.normal(ks[3], (N_EMOTIONS, EMBED_DIM), dtype=jnp.float32)
    # fusion MLP params (torch nn.Linear: y = x @ W.T + b)
    lim1 = 1.0 / np.sqrt(2 * EMBED_DIM)
    W1 = jax.random.uniform(ks[4], (STYLE_DIM, 2 * EMBED_DIM), minval=-lim1, maxval=lim1, dtype=jnp.float32)
    b1 = jax.random.uniform(ks[5], (STYLE_DIM,), minval=-lim1, maxval=lim1, dtype=jnp.float32)
    lim2 = 1.0 / np.sqrt(STYLE_DIM)
    W2 = jax.random.uniform(ks[6], (STYLE_DIM, STYLE_DIM), minval=-lim2, maxval=lim2, dtype=jnp.float32)
    b2 = jax.random.uniform(ks[7], (STYLE_DIM,), minval=-lim2, maxval=lim2, dtype=jnp.float32)
    return {"speaker_id": speaker_id, "emotion_id": emotion_id,
            "spk_table": spk_table, "emo_table": emo_table,
            "W1": W1, "b1": b1, "W2": W2, "b2": b2}


def reference(speaker_id, emotion_id, spk_table, emo_table, W1, b1, W2, b2):
    speaker_emb = jnp.take(spk_table, speaker_id, axis=0)   # [B, 64] gather
    emotion_emb = jnp.take(emo_table, emotion_id, axis=0)   # [B, 64] gather
    combined = jnp.concatenate([speaker_emb, emotion_emb], axis=-1)  # [B, 128]
    h = combined @ W1.T + b1
    h = jax.nn.relu(h)
    style = h @ W2.T + b2
    return style

if __name__ == "__main__":
    import jax
    _d = setup_inputs()
    print(jax.jit(kernel)(*tuple(_d.values())))

</pallas_src>

<mosaic_0001>
#map = affine_map<(d0, d1) -> (0)>
#map1 = affine_map<(d0, d1) -> (0, 0)>
module attributes {stable_mosaic.version = 14 : i64} {
  func.func @_sc_gather_body(%arg0: i32, %arg1: i32, %arg2: memref<16384xi32, #tpu.memory_space<hbm>>, %arg3: memref<102400x128xf32, #tpu.memory_space<hbm>>, %arg4: memref<16384x128xf32, #tpu.memory_space<hbm>>, %arg5: memref<512xi32, #tpu.memory_space<vmem>>, %arg6: memref<512x128xf32, #tpu.memory_space<vmem>>, %arg7: memref<!tpu.dma_semaphore, #tpu.memory_space<semaphore_mem>>, %arg8: memref<!tpu.dma_semaphore, #tpu.memory_space<semaphore_mem>>) attributes {dimension_semantics = [#tpu.dimension_semantics<core_parallel>, #tpu.dimension_semantics<subcore_parallel>], iteration_bounds = array<i64: 2, 16>, scalar_prefetch = 0 : i64, scratch_operands = 4 : i64, tpu.core_type = #tpu.core_type<sc_vector_subcore>, window_params = [{transform_indices = #map}, {transform_indices = #map1}, {transform_indices = #map1}]} {
    %mul3A = arith.constant 2 : i32
    %mul3A_0 = arith.muli %arg1, %mul3A : i32
    %add3A = arith.addi %mul3A_0, %arg0 : i32
    %mul3A_1 = arith.constant 512 : i32
    %mul3A_2 = arith.muli %add3A, %mul3A_1 : i32
    "tpu.region"() ({
      %run_scoped3A = tpu.sem_alloc : memref<!tpu.dma_semaphore, #tpu.memory_space<semaphore_mem>>
      %dma_start3A_153 = tpu.memref_slice %arg2[%mul3A_2] : memref<16384xi32, #tpu.memory_space<hbm>> -> memref<512xi32, #tpu.memory_space<hbm>>
      %dma_start3A_154 = tpu.memref_slice %arg2[%mul3A_2] : memref<16384xi32, #tpu.memory_space<hbm>> -> memref<512xi32, #tpu.memory_space<hbm>>
      tpu.enqueue_dma source(%dma_start3A_154 : memref<512xi32, #tpu.memory_space<hbm>>) target(%arg5 : memref<512xi32, #tpu.memory_space<vmem>>) target_semaphore(%run_scoped3A : memref<!tpu.dma_semaphore, #tpu.memory_space<semaphore_mem>>)
      %dma_wait3A_155 = tpu.memref_slice %arg2[%mul3A_2] : memref<16384xi32, #tpu.memory_space<hbm>> -> memref<512xi32, #tpu.memory_space<hbm>>
      %dma_wait3A_156 = tpu.memref_slice %arg2[%mul3A_2] : memref<16384xi32, #tpu.memory_space<hbm>> -> memref<512xi32, #tpu.memory_space<hbm>>
      tpu.wait_dma2 semaphore(%run_scoped3A : memref<!tpu.dma_semaphore, #tpu.memory_space<semaphore_mem>>) src(%dma_wait3A_156 : memref<512xi32, #tpu.memory_space<hbm>>) dst(%arg5 : memref<512xi32, #tpu.memory_space<vmem>>)
      tpu.yield
    }) : () -> ()
    %dma_start3A = arith.constant 0 : i32
    %dma_start3A_3 = arith.constant 0 : i32
    %dma_start3A_4 = tpu.memref_slice %arg6[%dma_start3A, %dma_start3A_3] : memref<512x128xf32, #tpu.memory_space<vmem>> -> memref<128x128xf32, #tpu.memory_space<vmem>>
    %dma_start3A_5 = arith.constant 0 : i32
    %dma_start3A_6 = tpu.memref_slice %arg5[%dma_start3A_5] : memref<512xi32, #tpu.memory_space<vmem>> -> memref<128xi32, #tpu.memory_space<vmem>>
    %dma_start3A_7 = arith.constant 0 : i32
    %dma_start3A_8 = arith.constant 0 : i32
    %dma_start3A_9 = tpu.memref_slice %arg3[%dma_start3A_7, %dma_start3A_8] : memref<102400x128xf32, #tpu.memory_space<hbm>> -> memref<102400x128xf32, #tpu.memory_space<hbm>>
    tpu.enqueue_indirect_dma source(%dma_start3A_9 : memref<102400x128xf32, #tpu.memory_space<hbm>>) target(%dma_start3A_4 : memref<128x128xf32, #tpu.memory_space<vmem>>) offsets(%dma_start3A_6 : memref<128xi32, #tpu.memory_space<vmem>>) semaphore(%arg7 : memref<!tpu.dma_semaphore, #tpu.memory_space<semaphore_mem>>)
    %dma_start3A_10 = arith.constant 128 : i32
    %dma_start3A_11 = arith.constant 0 : i32
    %dma_start3A_12 = tpu.memref_slice %arg6[%dma_start3A_10, %dma_start3A_11] : memref<512x128xf32, #tpu.memory_space<vmem>> -> memref<128x128xf32, #tpu.memory_space<vmem>>
    %dma_start3A_13 = arith.constant 128 : i32
    %dma_start3A_14 = tpu.memref_slice %arg5[%dma_start3A_13] : memref<512xi32, #tpu.memory_space<vmem>> -> memref<128xi32, #tpu.memory_space<vmem>>
    %dma_start3A_15 = arith.constant 0 : i32
    %dma_start3A_16 = arith.constant 0 : i32
    %dma_start3A_17 = tpu.memref_slice %arg3[%dma_start3A_15, %dma_start3A_16] : memref<102400x128xf32, #tpu.memory_space<hbm>> -> memref<102400x128xf32, #tpu.memory_space<hbm>>
    tpu.enqueue_indirect_dma source(%dma_start3A_17 : memref<102400x128xf32, #tpu.memory_space<hbm>>) target(%dma_start3A_12 : memref<128x128xf32, #tpu.memory_space<vmem>>) offsets(%dma_start3A_14 : memref<128xi32, #tpu.memory_space<vmem>>) semaphore(%arg7 : memref<!tpu.dma_semaphore, #tpu.memory_space<semaphore_mem>>)
    %dma_start3A_18 = arith.constant 256 : i32
    %dma_start3A_19 = arith.constant 0 : i32
    %dma_start3A_20 = tpu.memref_slice %arg6[%dma_start3A_18, %dma_start3A_19] : memref<512x128xf32, #tpu.memory_space<vmem>> -> memref<128x128xf32, #tpu.memory_space<vmem>>
    %dma_start3A_21 = arith.constant 256 : i32
    %dma_start3A_22 = tpu.memref_slice %arg5[%dma_start3A_21] : memref<512xi32, #tpu.memory_space<vmem>> -> memref<128xi32, #tpu.memory_space<vmem>>
    %dma_start3A_23 = arith.constant 0 : i32
    %dma_start3A_24 = arith.constant 0 : i32
    %dma_start3A_25 = tpu.memref_slice %arg3[%dma_start3A_23, %dma_start3A_24] : memref<102400x128xf32, #tpu.memory_space<hbm>> -> memref<102400x128xf32, #tpu.memory_space<hbm>>
    tpu.enqueue_indirect_dma source(%dma_start3A_25 : memref<102400x128xf32, #tpu.memory_space<hbm>>) target(%dma_start3A_20 : memref<128x128xf32, #tpu.memory_space<vmem>>) offsets(%dma_start3A_22 : memref<128xi32, #tpu.memory_space<vmem>>) semaphore(%arg7 : memref<!tpu.dma_semaphore, #tpu.memory_space<semaphore_mem>>)
    %dma_start3A_26 = arith.constant 384 : i32
    %dma_start3A_27 = arith.constant 0 : i32
    %dma_start3A_28 = tpu.memref_slice %arg6[%dma_start3A_26, %dma_start3A_27] : memref<512x128xf32, #tpu.memory_space<vmem>> -> memref<128x128xf32, #tpu.memory_space<vmem>>
    %dma_start3A_29 = arith.constant 384 : i32
    %dma_start3A_30 = tpu.memref_slice %arg5[%dma_start3A_29] : memref<512xi32, #tpu.memory_space<vmem>> -> memref<128xi32, #tpu.memory_space<vmem>>
    %dma_start3A_31 = arith.constant 0 : i32
    %dma_start3A_32 = arith.constant 0 : i32
    %dma_start3A_33 = tpu.memref_slice %arg3[%dma_start3A_31, %dma_start3A_32] : memref<102400x128xf32, #tpu.memory_space<hbm>> -> memref<102400x128xf32, #tpu.memory_space<hbm>>
    tpu.enqueue_indirect_dma source(%dma_start3A_33 : memref<102400x128xf32, #tpu.memory_space<hbm>>) target(%dma_start3A_28 : memref<128x128xf32, #tpu.memory_space<vmem>>) offsets(%dma_start3A_30 : memref<128xi32, #tpu.memory_space<vmem>>) semaphore(%arg7 : memref<!tpu.dma_semaphore, #tpu.memory_space<semaphore_mem>>)
    %dma_wait3A = arith.constant 0 : i32
    %dma_wait3A_34 = arith.constant 0 : i32
    %dma_wait3A_35 = tpu.memref_slice %arg6[%dma_wait3A, %dma_wait3A_34] : memref<512x128xf32, #tpu.memory_space<vmem>> -> memref<128x128xf32, #tpu.memory_space<vmem>>
    %dma_wait3A_36 = arith.constant 0 : i32
    %dma_wait3A_37 = tpu.memref_slice %arg5[%dma_wait3A_36] : memref<512xi32, #tpu.memory_space<vmem>> -> memref<128xi32, #tpu.memory_space<vmem>>
    %dma_wait3A_38 = arith.constant 0 : i32
    %dma_wait3A_39 = arith.constant 0 : i32
    %dma_wait3A_40 = tpu.memref_slice %arg3[%dma_wait3A_38, %dma_wait3A_39] : memref<102400x128xf32, #tpu.memory_space<hbm>> -> memref<102400x128xf32, #tpu.memory_space<hbm>>
    tpu.wait_indirect_dma semaphore(%arg7 : memref<!tpu.dma_semaphore, #tpu.memory_space<semaphore_mem>>) src(%dma_wait3A_40 : memref<102400x128xf32, #tpu.memory_space<hbm>>) dst(%dma_wait3A_35 : memref<128x128xf32, #tpu.memory_space<vmem>>)
    %add3A_41 = arith.constant 0 : i32
    %add3A_42 = arith.addi %mul3A_2, %add3A_41 : i32
    %dma_start3A_43 = arith.constant 0 : i32
    %dma_start3A_44 = arith.constant 0 : i32
    %dma_start3A_45 = tpu.memref_slice %arg6[%dma_start3A_43, %dma_start3A_44] : memref<512x128xf32, #tpu.memory_space<vmem>> -> memref<128x128xf32, #tpu.memory_space<vmem>>
    %dma_start3A_46 = arith.constant 0 : i32
    %dma_start3A_47 = tpu.memref_slice %arg4[%add3A_42, %dma_start3A_46] : memref<16384x128xf32, #tpu.memory_space<hbm>> -> memref<128x128xf32, #tpu.memory_space<hbm>>
    %dma_start3A_48 = arith.constant 0 : i32
    %dma_start3A_49 = tpu.memref_slice %arg4[%add3A_42, %dma_start3A_48] : memref<16384x128xf32, #tpu.memory_space<hbm>> -> memref<128x128xf32, #tpu.memory_space<hbm>>
    %dma_start3A_50 = arith.constant 0 : i32
    %dma_start3A_51 = arith.constant 0 : i32
    %dma_start3A_52 = tpu.memref_slice %arg6[%dma_start3A_50, %dma_start3A_51] : memref<512x128xf32, #tpu.memory_space<vmem>> -> memref<128x128xf32, #tpu.memory_space<vmem>>
    tpu.enqueue_dma source(%dma_start3A_52 : memref<128x128xf32, #tpu.memory_space<vmem>>) target(%dma_start3A_49 : memref<128x128xf32, #tpu.memory_space<hbm>>) target_semaphore(%arg8 : memref<!tpu.dma_semaphore, #tpu.memory_space<semaphore_mem>>)
    %dma_wait3A_53 = arith.constant 128 : i32
    %dma_wait3A_54 = arith.constant 0 : i32
    %dma_wait3A_55 = tpu.memref_slice %arg6[%dma_wait3A_53, %dma_wait3A_54] : memref<512x128xf32, #tpu.memory_space<vmem>> -> memref<128x128xf32, #tpu.memory_space<vmem>>
    %dma_wait3A_56 = arith.constant 128 : i32
    %dma_wait3A_57 = tpu.memref_slice %arg5[%dma_wait3A_56] : memref<512xi32, #tpu.memory_space<vmem>> -> memref<128xi32, #tpu.memory_space<vmem>>
    %dma_wait3A_58 = arith.constant 0 : i32
    %dma_wait3A_59 = arith.constant 0 : i32
    %dma_wait3A_60 = tpu.memref_slice %arg3[%dma_wait3A_58, %dma_wait3A_59] : memref<102400x128xf32, #tpu.memory_space<hbm>> -> memref<102400x128xf32, #tpu.memory_space<hbm>>
    tpu.wait_indirect_dma semaphore(%arg7 : memref<!tpu.dma_semaphore, #tpu.memory_space<semaphore_mem>>) src(%dma_wait3A_60 : memref<102400x128xf32, #tpu.memory_space<hbm>>) dst(%dma_wait3A_55 : memref<128x128xf32, #tpu.memory_space<vmem>>)
    %add3A_61 = arith.constant 128 : i32
    %add3A_62 = arith.addi %mul3A_2, %add3A_61 : i32
    %dma_start3A_63 = arith.constant 128 : i32
    %dma_start3A_64 = arith.constant 0 : i32
    %dma_start3A_65 = tpu.memref_slice %arg6[%dma_start3A_63, %dma_start3A_64] : memref<512x128xf32, #tpu.memory_space<vmem>> -> memref<128x128xf32, #tpu.memory_space<vmem>>
    %dma_start3A_66 = arith.constant 0 : i32
    %dma_start3A_67 = tpu.memref_slice %arg4[%add3A_62, %dma_start3A_66] : memref<16384x128xf32, #tpu.memory_space<hbm>> -> memref<128x128xf32, #tpu.memory_space<hbm>>
    %dma_start3A_68 = arith.constant 0 : i32
    %dma_start3A_69 = tpu.memref_slice %arg4[%add3A_62, %dma_start3A_68] : memref<16384x128xf32, #tpu.memory_space<hbm>> -> memref<128x128xf32, #tpu.memory_space<hbm>>
    %dma_start3A_70 = arith.constant 128 : i32
    %dma_start3A_71 = arith.constant 0 : i32
    %dma_start3A_72 = tpu.memref_slice %arg6[%dma_start3A_70, %dma_start3A_71] : memref<512x128xf32, #tpu.memory_space<vmem>> -> memref<128x128xf32, #tpu.memory_space<vmem>>
    tpu.enqueue_dma source(%dma_start3A_72 : memref<128x128xf32, #tpu.memory_space<vmem>>) target(%dma_start3A_69 : memref<128x128xf32, #tpu.memory_space<hbm>>) target_semaphore(%arg8 : memref<!tpu.dma_semaphore, #tpu.memory_space<semaphore_mem>>)
    %dma_wait3A_73 = arith.constant 256 : i32
    %dma_wait3A_74 = arith.constant 0 : i32
    %dma_wait3A_75 = tpu.memref_slice %arg6[%dma_wait3A_73, %dma_wait3A_74] : memref<512x128xf32, #tpu.memory_space<vmem>> -> memref<128x128xf32, #tpu.memory_space<vmem>>
    %dma_wait3A_76 = arith.constant 256 : i32
    %dma_wait3A_77 = tpu.memref_slice %arg5[%dma_wait3A_76] : memref<512xi32, #tpu.memory_space<vmem>> -> memref<128xi32, #tpu.memory_space<vmem>>
    %dma_wait3A_78 = arith.constant 0 : i32
    %dma_wait3A_79 = arith.constant 0 : i32
    %dma_wait3A_80 = tpu.memref_slice %arg3[%dma_wait3A_78, %dma_wait3A_79] : memref<102400x128xf32, #tpu.memory_space<hbm>> -> memref<102400x128xf32, #tpu.memory_space<hbm>>
    tpu.wait_indirect_dma semaphore(%arg7 : memref<!tpu.dma_semaphore, #tpu.memory_space<semaphore_mem>>) src(%dma_wait3A_80 : memref<102400x128xf32, #tpu.memory_space<hbm>>) dst(%dma_wait3A_75 : memref<128x128xf32, #tpu.memory_space<vmem>>)
    %add3A_81 = arith.constant 256 : i32
    %add3A_82 = arith.addi %mul3A_2, %add3A_81 : i32
    %dma_start3A_83 = arith.constant 256 : i32
    %dma_start3A_84 = arith.constant 0 : i32
    %dma_start3A_85 = tpu.memref_slice %arg6[%dma_start3A_83, %dma_start3A_84] : memref<512x128xf32, #tpu.memory_space<vmem>> -> memref<128x128xf32, #tpu.memory_space<vmem>>
    %dma_start3A_86 = arith.constant 0 : i32
    %dma_start3A_87 = tpu.memref_slice %arg4[%add3A_82, %dma_start3A_86] : memref<16384x128xf32, #tpu.memory_space<hbm>> -> memref<128x128xf32, #tpu.memory_space<hbm>>
    %dma_start3A_88 = arith.constant 0 : i32
    %dma_start3A_89 = tpu.memref_slice %arg4[%add3A_82, %dma_start3A_88] : memref<16384x128xf32, #tpu.memory_space<hbm>> -> memref<128x128xf32, #tpu.memory_space<hbm>>
    %dma_start3A_90 = arith.constant 256 : i32
    %dma_start3A_91 = arith.constant 0 : i32
    %dma_start3A_92 = tpu.memref_slice %arg6[%dma_start3A_90, %dma_start3A_91] : memref<512x128xf32, #tpu.memory_space<vmem>> -> memref<128x128xf32, #tpu.memory_space<vmem>>
    tpu.enqueue_dma source(%dma_start3A_92 : memref<128x128xf32, #tpu.memory_space<vmem>>) target(%dma_start3A_89 : memref<128x128xf32, #tpu.memory_space<hbm>>) target_semaphore(%arg8 : memref<!tpu.dma_semaphore, #tpu.memory_space<semaphore_mem>>)
    %dma_wait3A_93 = arith.constant 384 : i32
    %dma_wait3A_94 = arith.constant 0 : i32
    %dma_wait3A_95 = tpu.memref_slice %arg6[%dma_wait3A_93, %dma_wait3A_94] : memref<512x128xf32, #tpu.memory_space<vmem>> -> memref<128x128xf32, #tpu.memory_space<vmem>>
    %dma_wait3A_96 = arith.constant 384 : i32
    %dma_wait3A_97 = tpu.memref_slice %arg5[%dma_wait3A_96] : memref<512xi32, #tpu.memory_space<vmem>> -> memref<128xi32, #tpu.memory_space<vmem>>
    %dma_wait3A_98 = arith.constant 0 : i32
    %dma_wait3A_99 = arith.constant 0 : i32
    %dma_wait3A_100 = tpu.memref_slice %arg3[%dma_wait3A_98, %dma_wait3A_99] : memref<102400x128xf32, #tpu.memory_space<hbm>> -> memref<102400x128xf32, #tpu.memory_space<hbm>>
    tpu.wait_indirect_dma semaphore(%arg7 : memref<!tpu.dma_semaphore, #tpu.memory_space<semaphore_mem>>) src(%dma_wait3A_100 : memref<102400x128xf32, #tpu.memory_space<hbm>>) dst(%dma_wait3A_95 : memref<128x128xf32, #tpu.memory_space<vmem>>)
    %add3A_101 = arith.constant 384 : i32
    %add3A_102 = arith.addi %mul3A_2, %add3A_101 : i32
    %dma_start3A_103 = arith.constant 384 : i32
    %dma_start3A_104 = arith.constant 0 : i32
    %dma_start3A_105 = tpu.memref_slice %arg6[%dma_start3A_103, %dma_start3A_104] : memref<512x128xf32, #tpu.memory_space<vmem>> -> memref<128x128xf32, #tpu.memory_space<vmem>>
    %dma_start3A_106 = arith.constant 0 : i32
    %dma_start3A_107 = tpu.memref_slice %arg4[%add3A_102, %dma_start3A_106] : memref<16384x128xf32, #tpu.memory_space<hbm>> -> memref<128x128xf32, #tpu.memory_space<hbm>>
    %dma_start3A_108 = arith.constant 0 : i32
    %dma_start3A_109 = tpu.memref_slice %arg4[%add3A_102, %dma_start3A_108] : memref<16384x128xf32, #tpu.memory_space<hbm>> -> memref<128x128xf32, #tpu.memory_space<hbm>>
    %dma_start3A_110 = arith.constant 384 : i32
    %dma_start3A_111 = arith.constant 0 : i32
    %dma_start3A_112 = tpu.memref_slice %arg6[%dma_start3A_110, %dma_start3A_111] : memref<512x128xf32, #tpu.memory_space<vmem>> -> memref<128x128xf32, #tpu.memory_space<vmem>>
    tpu.enqueue_dma source(%dma_start3A_112 : memref<128x128xf32, #tpu.memory_space<vmem>>) target(%dma_start3A_109 : memref<128x128xf32, #tpu.memory_space<hbm>>) target_semaphore(%arg8 : memref<!tpu.dma_semaphore, #tpu.memory_space<semaphore_mem>>)
    %dma_wait3A_113 = arith.constant 0 : i32
    %dma_wait3A_114 = arith.constant 0 : i32
    %dma_wait3A_115 = tpu.memref_slice %arg6[%dma_wait3A_113, %dma_wait3A_114] : memref<512x128xf32, #tpu.memory_space<vmem>> -> memref<128x128xf32, #tpu.memory_space<vmem>>
    %dma_wait3A_116 = arith.constant 0 : i32
    %dma_wait3A_117 = tpu.memref_slice %arg4[%add3A_42, %dma_wait3A_116] : memref<16384x128xf32, #tpu.memory_space<hbm>> -> memref<128x128xf32, #tpu.memory_space<hbm>>
    %dma_wait3A_118 = arith.constant 0 : i32
    %dma_wait3A_119 = tpu.memref_slice %arg4[%add3A_42, %dma_wait3A_118] : memref<16384x128xf32, #tpu.memory_space<hbm>> -> memref<128x128xf32, #tpu.memory_space<hbm>>
    %dma_wait3A_120 = arith.constant 0 : i32
    %dma_wait3A_121 = arith.constant 0 : i32
    %dma_wait3A_122 = tpu.memref_slice %arg6[%dma_wait3A_120, %dma_wait3A_121] : memref<512x128xf32, #tpu.memory_space<vmem>> -> memref<128x128xf32, #tpu.memory_space<vmem>>
    tpu.wait_dma2 semaphore(%arg8 : memref<!tpu.dma_semaphore, #tpu.memory_space<semaphore_mem>>) src(%dma_wait3A_122 : memref<128x128xf32, #tpu.memory_space<vmem>>) dst(%dma_wait3A_119 : memref<128x128xf32, #tpu.memory_space<hbm>>)
    %dma_wait3A_123 = arith.constant 128 : i32
    %dma_wait3A_124 = arith.constant 0 : i32
    %dma_wait3A_125 = tpu.memref_slice %arg6[%dma_wait3A_123, %dma_wait3A_124] : memref<512x128xf32, #tpu.memory_space<vmem>> -> memref<128x128xf32, #tpu.memory_space<vmem>>
    %dma_wait3A_126 = arith.constant 0 : i32
    %dma_wait3A_127 = tpu.memref_slice %arg4[%add3A_62, %dma_wait3A_126] : memref<16384x128xf32, #tpu.memory_space<hbm>> -> memref<128x128xf32, #tpu.memory_space<hbm>>
    %dma_wait3A_128 = arith.constant 0 : i32
    %dma_wait3A_129 = tpu.memref_slice %arg4[%add3A_62, %dma_wait3A_128] : memref<16384x128xf32, #tpu.memory_space<hbm>> -> memref<128x128xf32, #tpu.memory_space<hbm>>
    %dma_wait3A_130 = arith.constant 128 : i32
    %dma_wait3A_131 = arith.constant 0 : i32
    %dma_wait3A_132 = tpu.memref_slice %arg6[%dma_wait3A_130, %dma_wait3A_131] : memref<512x128xf32, #tpu.memory_space<vmem>> -> memref<128x128xf32, #tpu.memory_space<vmem>>
    tpu.wait_dma2 semaphore(%arg8 : memref<!tpu.dma_semaphore, #tpu.memory_space<semaphore_mem>>) src(%dma_wait3A_132 : memref<128x128xf32, #tpu.memory_space<vmem>>) dst(%dma_wait3A_129 : memref<128x128xf32, #tpu.memory_space<hbm>>)
    %dma_wait3A_133 = arith.constant 256 : i32
    %dma_wait3A_134 = arith.constant 0 : i32
    %dma_wait3A_135 = tpu.memref_slice %arg6[%dma_wait3A_133, %dma_wait3A_134] : memref<512x128xf32, #tpu.memory_space<vmem>> -> memref<128x128xf32, #tpu.memory_space<vmem>>
    %dma_wait3A_136 = arith.constant 0 : i32
    %dma_wait3A_137 = tpu.memref_slice %arg4[%add3A_82, %dma_wait3A_136] : memref<16384x128xf32, #tpu.memory_space<hbm>> -> memref<128x128xf32, #tpu.memory_space<hbm>>
    %dma_wait3A_138 = arith.constant 0 : i32
    %dma_wait3A_139 = tpu.memref_slice %arg4[%add3A_82, %dma_wait3A_138] : memref<16384x128xf32, #tpu.memory_space<hbm>> -> memref<128x128xf32, #tpu.memory_space<hbm>>
    %dma_wait3A_140 = arith.constant 256 : i32
    %dma_wait3A_141 = arith.constant 0 : i32
    %dma_wait3A_142 = tpu.memref_slice %arg6[%dma_wait3A_140, %dma_wait3A_141] : memref<512x128xf32, #tpu.memory_space<vmem>> -> memref<128x128xf32, #tpu.memory_space<vmem>>
    tpu.wait_dma2 semaphore(%arg8 : memref<!tpu.dma_semaphore, #tpu.memory_space<semaphore_mem>>) src(%dma_wait3A_142 : memref<128x128xf32, #tpu.memory_space<vmem>>) dst(%dma_wait3A_139 : memref<128x128xf32, #tpu.memory_space<hbm>>)
    %dma_wait3A_143 = arith.constant 384 : i32
    %dma_wait3A_144 = arith.constant 0 : i32
    %dma_wait3A_145 = tpu.memref_slice %arg6[%dma_wait3A_143, %dma_wait3A_144] : memref<512x128xf32, #tpu.memory_space<vmem>> -> memref<128x128xf32, #tpu.memory_space<vmem>>
    %dma_wait3A_146 = arith.constant 0 : i32
    %dma_wait3A_147 = tpu.memref_slice %arg4[%add3A_102, %dma_wait3A_146] : memref<16384x128xf32, #tpu.memory_space<hbm>> -> memref<128x128xf32, #tpu.memory_space<hbm>>
    %dma_wait3A_148 = arith.constant 0 : i32
    %dma_wait3A_149 = tpu.memref_slice %arg4[%add3A_102, %dma_wait3A_148] : memref<16384x128xf32, #tpu.memory_space<hbm>> -> memref<128x128xf32, #tpu.memory_space<hbm>>
    %dma_wait3A_150 = arith.constant 384 : i32
    %dma_wait3A_151 = arith.constant 0 : i32
    %dma_wait3A_152 = tpu.memref_slice %arg6[%dma_wait3A_150, %dma_wait3A_151] : memref<512x128xf32, #tpu.memory_space<vmem>> -> memref<128x128xf32, #tpu.memory_space<vmem>>
    tpu.wait_dma2 semaphore(%arg8 : memref<!tpu.dma_semaphore, #tpu.memory_space<semaphore_mem>>) src(%dma_wait3A_152 : memref<128x128xf32, #tpu.memory_space<vmem>>) dst(%dma_wait3A_149 : memref<128x128xf32, #tpu.memory_space<hbm>>)
    return
  }
}

module attributes {stable_mosaic.version = 14 : i64} {
  func.func @_project_body(%arg0: i32, %arg1: memref<64x25600xf32, #tpu.memory_space<vmem>>, %arg2: memref<128x128xf32, #tpu.memory_space<vmem>>, %arg3: memref<25600x128xf32, #tpu.memory_space<vmem>>) attributes {dimension_semantics = [#tpu.dimension_semantics<arbitrary>], iteration_bounds = array<i64: 4>, scalar_prefetch = 0 : i64, scratch_operands = 0 : i64, tpu.core_type = #tpu.core_type<tc>, window_params = [{transform_indices = @transform_0, window_bounds = array<i64: 64, 25600>}, {pipeline_mode = #tpu.pipeline_mode<synchronous>, transform_indices = @transform_1, window_bounds = array<i64: 128, 128>}, {transform_indices = @transform_2, window_bounds = array<i64: 25600, 128>}]} {
    %get3A = arith.constant 0 : index
    %get3A_0 = arith.constant 0 : index
    %get3A_1 = vector.load %arg2[%get3A, %get3A_0] : memref<128x128xf32, #tpu.memory_space<vmem>>, vector<128x128xf32>
    %slice3A = vector.extract_strided_slice %get3A_1 {offsets = [0, 0], sizes = [128, 64], strides = [1, 1]} : vector<128x128xf32> to vector<128x64xf32>
    %get3A_2 = arith.constant 0 : index
    %get3A_3 = arith.constant 0 : index
    %get3A_4 = vector.load %arg1[%get3A_2, %get3A_3] : memref<64x25600xf32, #tpu.memory_space<vmem>>, vector<64x25600xf32>
    %dot_general3A = arith.constant dense<0.000000e+00> : vector<25600x128xf32>
    %dot_general3A_5 = tpu.matmul %get3A_4, %slice3A, %dot_general3A {dimension_numbers = #tpu.dot_dimension_numbers<[0], [1], [1], [0], [0, 1, 1, 0], [], []>, transpose_lhs_hint = false} : vector<64x25600xf32>, vector<128x64xf32>, vector<25600x128xf32> -> vector<25600x128xf32>
    %swap3A = arith.constant 0 : index
    %swap3A_6 = arith.constant 0 : index
    %swap3A_7 = vector.load %arg3[%swap3A, %swap3A_6] : memref<25600x128xf32, #tpu.memory_space<vmem>>, vector<25600x128xf32>
    tpu.vector_store %arg3[%swap3A, %swap3A_6], %dot_general3A_5 {strides = array<i32>} : memref<25600x128xf32, #tpu.memory_space<vmem>>, vector<25600x128xf32>,
    return
  }
  func.func @transform_0(%arg0: i32) -> (i32, i32) {
    %c0_i32 = arith.constant 0 : i32
    %c0_i32_0 = arith.constant 0 : i32
    return %c0_i32, %arg0 : i32, i32
  }
  func.func @transform_1(%arg0: i32) -> (i32, i32) {
    %c0_i32 = arith.constant 0 : i32
    %c0_i32_0 = arith.constant 0 : i32
    %c0_i32_1 = arith.constant 0 : i32
    return %c0_i32, %c0_i32_0 : i32, i32
  }
  func.func @transform_2(%arg0: i32) -> (i32, i32) {
    %c0_i32 = arith.constant 0 : i32
    %c0_i32_0 = arith.constant 0 : i32
    return %arg0, %c0_i32 : i32, i32
  }
}

module attributes {stable_mosaic.version = 14 : i64} {
  func.func @_mlp_body(%arg0: i32, %arg1: memref<8192x128xf32, #tpu.memory_space<vmem>>, %arg2: memref<8192xi32, #tpu.memory_space<vmem>>, %arg3: memref<32x64xf32, #tpu.memory_space<vmem>>, %arg4: memref<128x128xf32, #tpu.memory_space<vmem>>, %arg5: memref<128xf32, #tpu.memory_space<vmem>>, %arg6: memref<128x128xf32, #tpu.memory_space<vmem>>, %arg7: memref<128xf32, #tpu.memory_space<vmem>>, %arg8: memref<8192x128xf32, #tpu.memory_space<vmem>>) attributes {dimension_semantics = [#tpu.dimension_semantics<arbitrary>], iteration_bounds = array<i64: 2>, scalar_prefetch = 0 : i64, scratch_operands = 0 : i64, tpu.core_type = #tpu.core_type<tc>, window_params = [{transform_indices = @transform_0, window_bounds = array<i64: 8192, 128>}, {transform_indices = @transform_1, window_bounds = array<i64: 8192>}, {pipeline_mode = #tpu.pipeline_mode<synchronous>, transform_indices = @transform_2, window_bounds = array<i64: 32, 64>}, {pipeline_mode = #tpu.pipeline_mode<synchronous>, transform_indices = @transform_3, window_bounds = array<i64: 128, 128>}, {pipeline_mode = #tpu.pipeline_mode<synchronous>, transform_indices = @transform_4, window_bounds = array<i64: 128>}, {pipeline_mode = #tpu.pipeline_mode<synchronous>, transform_indices = @transform_5, window_bounds = array<i64: 128, 128>}, {pipeline_mode = #tpu.pipeline_mode<synchronous>, transform_indices = @transform_6, window_bounds = array<i64: 128>}, {transform_indices = @transform_7, window_bounds = array<i64: 8192, 128>}]} {
    %get3A = arith.constant 0 : index
    %get3A_0 = vector.load %arg2[%get3A] : memref<8192xi32, #tpu.memory_space<vmem>>, vector<8192xi32>
    %broadcast_in_dim3A = vector.shape_cast %get3A_0 : vector<8192xi32> to vector<8192x1xi32>
    %iota3A = tpu.iota {dimensions = array<i32: 1>} : vector<8192x32xi32>
    %eq3A = vector.broadcast %broadcast_in_dim3A : vector<8192x1xi32> to vector<8192x32xi32>
    %eq3A_1 = arith.cmpi eq, %eq3A, %iota3A : vector<8192x32xi32>
    %convert_element_type3A = arith.extui %eq3A_1 : vector<8192x32xi1> to vector<8192x32xi32>
    %convert_element_type3A_2 = arith.sitofp %convert_element_type3A : vector<8192x32xi32> to vector<8192x32xf32>
    %get3A_3 = arith.constant 0 : index
    %get3A_4 = arith.constant 0 : index
    %get3A_5 = vector.load %arg4[%get3A_3, %get3A_4] : memref<128x128xf32, #tpu.memory_space<vmem>>, vector<128x128xf32>
    %slice3A = vector.extract_strided_slice %get3A_5 {offsets = [0, 64], sizes = [128, 64], strides = [1, 1]} : vector<128x128xf32> to vector<128x64xf32>
    %get3A_6 = arith.constant 0 : index
    %get3A_7 = arith.constant 0 : index
    %get3A_8 = vector.load %arg3[%get3A_6, %get3A_7] : memref<32x64xf32, #tpu.memory_space<vmem>>, vector<32x64xf32>
    %dot_general3A = arith.constant dense<0.000000e+00> : vector<32x128xf32>
    %dot_general3A_9 = tpu.matmul %get3A_8, %slice3A, %dot_general3A {dimension_numbers = #tpu.dot_dimension_numbers<[1], [1], [0], [0], [0, 0, 1, 0], [], []>, transpose_lhs_hint = false} : vector<32x64xf32>, vector<128x64xf32>, vector<32x128xf32> -> vector<32x128xf32>
    %get3A_10 = arith.constant 0 : index
    %get3A_11 = vector.load %arg5[%get3A_10] : memref<128xf32, #tpu.memory_space<vmem>>, vector<128xf32>
    %broadcast_in_dim3A_12 = vector.shape_cast %get3A_11 : vector<128xf32> to vector<1x128xf32>
    %add3A = vector.broadcast %broadcast_in_dim3A_12 : vector<1x128xf32> to vector<32x128xf32>
    %add3A_13 = arith.addf %dot_general3A_9, %add3A : vector<32x128xf32>
    %get3A_14 = arith.constant 0 : index
    %get3A_15 = arith.constant 0 : index
    %get3A_16 = vector.load %arg1[%get3A_14, %get3A_15] : memref<8192x128xf32, #tpu.memory_space<vmem>>, vector<8192x128xf32>
    %dot_general3A_17 = arith.constant dense<0.000000e+00> : vector<8192x128xf32>
    %dot_general3A_18 = tpu.matmul %convert_element_type3A_2, %add3A_13, %dot_general3A_17 {dimension_numbers = #tpu.dot_dimension_numbers<[1], [0], [0], [1], [0, 0, 1, 1], [], []>, transpose_lhs_hint = false} : vector<8192x32xf32>, vector<32x128xf32>, vector<8192x128xf32> -> vector<8192x128xf32>
    %add3A_19 = arith.addf %get3A_16, %dot_general3A_18 : vector<8192x128xf32>
    %max3A = arith.constant 0.000000e+00 : f32
    %max3A_20 = vector.broadcast %max3A : f32 to vector<8192x128xf32>
    %max3A_21 = arith.maximumf %add3A_19, %max3A_20 : vector<8192x128xf32>
    %get3A_22 = arith.constant 0 : index
    %get3A_23 = arith.constant 0 : index
    %get3A_24 = vector.load %arg6[%get3A_22, %get3A_23] : memref<128x128xf32, #tpu.memory_space<vmem>>, vector<128x128xf32>
    %dot_general3A_25 = arith.constant dense<0.000000e+00> : vector<8192x128xf32>
    %dot_general3A_26 = tpu.matmul %max3A_21, %get3A_24, %dot_general3A_25 {dimension_numbers = #tpu.dot_dimension_numbers<[1], [1], [0], [0], [0, 0, 1, 0], [], []>, transpose_lhs_hint = false} : vector<8192x128xf32>, vector<128x128xf32>, vector<8192x128xf32> -> vector<8192x128xf32>
    %get3A_27 = arith.constant 0 : index
    %get3A_28 = vector.load %arg7[%get3A_27] : memref<128xf32, #tpu.memory_space<vmem>>, vector<128xf32>
    %broadcast_in_dim3A_29 = vector.shape_cast %get3A_28 : vector<128xf32> to vector<1x128xf32>
    %add3A_30 = vector.broadcast %broadcast_in_dim3A_29 : vector<1x128xf32> to vector<8192x128xf32>
    %add3A_31 = arith.addf %dot_general3A_26, %add3A_30 : vector<8192x128xf32>
    %swap3A = arith.constant 0 : index
    %swap3A_32 = arith.constant 0 : index
    %swap3A_33 = vector.load %arg8[%swap3A, %swap3A_32] : memref<8192x128xf32, #tpu.memory_space<vmem>>, vector<8192x128xf32>
    tpu.vector_store %arg8[%swap3A, %swap3A_32], %add3A_31 {strides = array<i32>} : memref<8192x128xf32, #tpu.memory_space<vmem>>, vector<8192x128xf32>,
    return
  }
  func.func @transform_0(%arg0: i32) -> (i32, i32) {
    %c0_i32 = arith.constant 0 : i32
    %c0_i32_0 = arith.constant 0 : i32
    return %arg0, %c0_i32 : i32, i32
  }
  func.func @transform_1(%arg0: i32) -> i32 {
    %c0_i32 = arith.constant 0 : i32
    return %arg0 : i32
  }
  func.func @transform_2(%arg0: i32) -> (i32, i32) {
    %c0_i32 = arith.constant 0 : i32
    %c0_i32_0 = arith.constant 0 : i32
    %c0_i32_1 = arith.constant 0 : i32
    return %c0_i32, %c0_i32_0 : i32, i32
  }
  func.func @transform_3(%arg0: i32) -> (i32, i32) {
    %c0_i32 = arith.constant 0 : i32
    %c0_i32_0 = arith.constant 0 : i32
    %c0_i32_1 = arith.constant 0 : i32
    return %c0_i32, %c0_i32_0 : i32, i32
  }
  func.func @transform_4(%arg0: i32) -> i32 {
    %c0_i32 = arith.constant 0 : i32
    %c0_i32_0 = arith.constant 0 : i32
    return %c0_i32 : i32
  }
  func.func @transform_5(%arg0: i32) -> (i32, i32) {
    %c0_i32 = arith.constant 0 : i32
    %c0_i32_0 = arith.constant 0 : i32
    %c0_i32_1 = arith.constant 0 : i32
    return %c0_i32, %c0_i32_0 : i32, i32
  }
  func.func @transform_6(%arg0: i32) -> i32 {
    %c0_i32 = arith.constant 0 : i32
    %c0_i32_0 = arith.constant 0 : i32
    return %c0_i32 : i32
  }
  func.func @transform_7(%arg0: i32) -> (i32, i32) {
    %c0_i32 = arith.constant 0 : i32
    %c0_i32_0 = arith.constant 0 : i32
    return %arg0, %c0_i32 : i32, i32
  }
}

</mosaic_0001>

<sc_bundles>
// kernel: kernel.5.cloned.1.call-start
scs
__scs_entry_jumppad:
0x0: {  	(pc) =	sbr.rel $0x88, $3  }
0x1: {  	(tag) =	ssettag $0x0;
	lr =	simm.s32 $0x1  }
0x2: {  	[smem:$0x3F99] =	sst lr;
	_ =	strace $0xD0000000  }
0x3: {  	_ = 	snop  }
0x4: {  	_ = 	snop  }
0x5: {  	_ = 	snop  }
0x6: {  	_ = 	snop  }
0x7: {  	_ = 	snop  }
__scs_overlays_trampoline_lowered:
0x8: {  	[smem:$0x3FA8] =	sst s0  }
0x9: {  	[smem:$0x3FA9] =	sst s1  }
0xa: {  	[smem:$0x3FAA] =	sst s2  }
0xb: {  	[smem:$0x3FAB] =	sst s3  }
0xc: {  	[smem:$0x3FAC] =	sst s4  }
0xd: {  	[smem:$0x3FAD] =	sst s5  }
0xe: {  	[smem:$0x3FAE] =	sst s6  }
0xf: {  	[smem:$0x3FAF] =	sst s7  }
0x10: {  	[smem:$0x3FB0] =	sst s8  }
0x11: {  	[smem:$0x3FB1] =	sst s9;
	s0 =	simm.s32 @!p0 $0x0  }
0x12: {  	s1 =	sld [smem:$0x3F97];
	s0 =	simm.s32 @p0 $0x1  }
0x13: {  	[smem:$0x3FB2] =	sst s0;
	s0 =	simm.s32 @!p1 $0x0  }
0x14: {  	s2 =	sld [smem:$0x3F96];
	s0 =	simm.s32 @p1 $0x1  }
0x15: {  	[smem:$0x3FB3] =	sst s0;
	s0 =	simm.s32 @!p2 $0x0  }
0x16: {  	s3 =	sld [smem:$0x3FDB];
	s0 =	simm.s32 @p2 $0x1  }
0x17: {  	s4 =	simm.s32 $0x1BF5;
	[smem:$0x3FB5] =	sst s0  }
0x18: {  	s0 =	sld [smem:$0x3F98];
	_ =	swait.ge [sflag:s4], $0x0  }
0x19: {  	s7 =	sld [smem:$0x3F99]  }
0x1a: {  	s8 =	sadd.s32 $0xFFFFE003, lr  }
0x1b: {  	s9 =	sadd.s32 $0xFFFFFEF7, lr;
	s5 =	simm.s32 $0xFFFFFFFF;
	p2 =	slt.u32 s8, $0xFFFFF086  }
0x1c: {  	p1 =	slt.u32 s9, $0xF7A;
	s5 =	simm.s32 @!p2 $0x0  }
0x1d: {  	s5 =	simm.s32 @p1 $0x1;
	p0 =	seq.s32 s7, s2  }
0x1e: {  	s7 =	smul.u32 @!p0 $0xF7A, s2;
	p2 =	seq.s32 @!p0 s5, $0x0  }
0x1f: {  	s9 =	smul.u32 $0xF7A, s1;
	s8 =	simm.s32 @!p0 $0x1BF5;
	p2 =	por !p2, p0  }
0x20: {  	[sflag:s8] =	ssyncset.s32 @!p0 $0xFFFFF086;
	s6 =	sadd.s32 @!p0 s3, s7;
	s7 =	simm.s32 @!p0 $0x108  }
0x21: {  	s3 =	sadd.s32 s3, s9;
	s6 =	sadd.s32 @!p0 $0x88, s6;
	s7 =	simm.s32 @p2 $0x1082  }
0x22: {  	[simem:s7], [sflag:s8] =	dma.local @!p0 [hbm:s6], $0xF7A  }
0x23: {  	s9 =	sor.u32 $0xD0000000, s2;
	s6 =	simm.s32 $0x108;
	_ =	swait.ge @!p0 [sflag:s8], $0x0  }
0x24: {  	s3 =	sadd.s32 $0x88, s3;
	s6 =	simm.s32 @!p1 $0x1082;
	[sflag:s4] =	ssyncset.s32 $0xFFFFF086  }
0x25: {  	[simem:s6], [sflag:s4] =	dma.local [hbm:s3], $0xF7A  }
0x26: {  	[smem:$0x3F99] =	sst s1;
	(tag) =	ssettag s2;
	_ =	strace s9  }
0x27: {  	s1 =	sld [smem:$0x3FA9]  }
0x28: {  	s2 =	sld [smem:$0x3FAA]  }
0x29: {  	s4 =	sld [smem:$0x3FAC]  }
0x2a: {  	p0 =	seq.s32 s5, $0x0;
	s5 =	sld [smem:$0x3FAD]  }
0x2b: {  	s6 =	sld [smem:$0x3FAE]  }
0x2c: {  	s7 =	sld [smem:$0x3FAF]  }
0x2d: {  	s3 =	simm.s32 $0x108;
	s8 =	sld [smem:$0x3FB0]  }
0x2e: {  	s3 =	simm.s32 @!p0 $0x1082;
	s9 =	sld [smem:$0x3FB1]  }
0x2f: {  	lr =	sadd.s32 s0, s3;
	s0 =	sld [smem:$0x3FA8]  }
0x30: {  	s3 =	sld [smem:$0x3FAB]  }
0x31: {  	[smem:$0x3FB4] =	sst s10  }
0x32: {  	s10 =	sld [smem:$0x3FB2];
	_ =	sdelay $0x3  }
0x33: {  	p0 =	seq.s32 s10, $0x1;
	s10 =	sld [smem:$0x3FB4];
	_ =	sdelay $0x3  }
0x34: {  	[smem:$0x3FB4] =	sst s10  }
0x35: {  	s10 =	sld [smem:$0x3FB3];
	_ =	sdelay $0x3  }
0x36: {  	p1 =	seq.s32 s10, $0x1;
	s10 =	sld [smem:$0x3FB4];
	_ =	sdelay $0x3  }
0x37: {  	[smem:$0x3FB4] =	sst s10  }
0x38: {  	s10 =	sld [smem:$0x3FB5]  }
0x39: {  	_ = 	snop;
	(pc) =	sbr.ind lr, $3  }
0x3a: {  	_ = 	snop  }
0x3b: {  	_ = 	snop  }
0x3c: {  	p2 =	seq.s32 s10, $0x1;
	s10 =	sld [smem:$0x3FB4]  }
0x3d: {  	_ =	shalt  }
0x3e: {  	_ =	shalt  }
0x3f: {  	_ =	shalt  }
0x40: {  	_ =	shalt  }
0x41: {  	_ =	shalt  }
0x42: {  	_ =	shalt  }
0x43: {  	_ =	shalt  }
0x44: {  	_ =	shalt  }
0x45: {  	_ =	shalt  }
0x46: {  	_ =	shalt  }
0x47: {  	_ =	shalt  }
0x48: {  	_ =	shalt  }
0x49: {  	_ =	shalt  }
0x4a: {  	_ =	shalt  }
0x4b: {  	_ =	shalt  }
0x4c: {  	_ =	shalt  }
0x4d: {  	_ =	shalt  }
0x4e: {  	_ =	shalt  }
0x4f: {  	_ =	shalt  }
0x50: {  	_ =	shalt  }
0x51: {  	_ =	shalt  }
0x52: {  	_ =	shalt  }
0x53: {  	_ =	shalt  }
0x54: {  	_ =	shalt  }
0x55: {  	_ =	shalt  }
0x56: {  	_ =	shalt  }
0x57: {  	_ =	shalt  }
0x58: {  	_ =	shalt  }
0x59: {  	_ =	shalt  }
0x5a: {  	_ =	shalt  }
0x5b: {  	_ =	shalt  }
0x5c: {  	_ =	shalt  }
0x5d: {  	_ =	shalt  }
0x5e: {  	_ =	shalt  }
0x5f: {  	_ =	shalt  }
0x60: {  	_ =	shalt  }
0x61: {  	_ =	shalt  }
0x62: {  	_ =	shalt  }
0x63: {  	_ =	shalt  }
0x64: {  	_ =	shalt  }
0x65: {  	_ =	shalt  }
0x66: {  	_ =	shalt  }
0x67: {  	_ =	shalt  }
0x68: {  	_ =	shalt  }
0x69: {  	_ =	shalt  }
0x6a: {  	_ =	shalt  }
0x6b: {  	_ =	shalt  }
0x6c: {  	_ =	shalt  }
0x6d: {  	_ =	shalt  }
0x6e: {  	_ =	shalt  }
0x6f: {  	_ =	shalt  }
0x70: {  	_ =	shalt  }
0x71: {  	_ =	shalt  }
0x72: {  	_ =	shalt  }
0x73: {  	_ =	shalt  }
0x74: {  	_ =	shalt  }
0x75: {  	_ =	shalt  }
0x76: {  	_ =	shalt  }
0x77: {  	_ =	shalt  }
0x78: {  	_ =	shalt  }
0x79: {  	_ =	shalt  }
0x7a: {  	_ =	shalt  }
0x7b: {  	_ =	shalt  }
0x7c: {  	_ =	shalt  }
0x7d: {  	_ =	shalt  }
0x7e: {  	_ =	shalt  }
0x7f: {  	_ =	shalt  }
0x80: {  	_ =	shalt  }
0x81: {  	_ =	shalt  }
0x82: {  	_ =	shalt  }
0x83: {  	_ =	shalt  }
0x84: {  	_ =	shalt  }
0x85: {  	_ =	shalt  }
0x86: {  	_ =	shalt  }
0x87: {  	_ =	shalt  }
.Lfunc_end0:
.L_simem_size_0:
called_computation_lowered:
.L_overlay_start_0:
0x88: {  	s2 =	sld [smem:$0x3FD9]  }
0x89: {  	s3 =	sld [smem:$0x3FFE];
	_ =	sdelay $0x1  }
0x8a: {  	s1 =	srdreg.scid  }
0x8b: {  	s0 =	sand.u32 $0x1, s1  }
0x8c: {  	s17 =	sshll.u32 s0, $0xA;
	s2 =	sadd.s32 s3, s2  }
0x8d: {  	s2 =	sadd.s32 s2, s17  }
0x8e: {  	[smem:$0x3FC0] =	sst s2  }
0x8f: {  	_ = 	snop  }
0x90: {  	s2 =	sld [smem:$0x3FC9]  }
0x91: {  	s18 =	sld [smem:$0x3FD0];
	(tm) =	ssettm $0x1  }
0x92: {  	s4 =	sld [smem:$0x3FFB];
	_ =	sdelay $0x3  }
0x93: {  	_ =	strace s4  }
0x94: {  	s4 =	sld [smem:$0x3FFC];
	_ =	sdelay $0x3  }
0x95: {  	_ =	strace s4  }
0x96: {  	s4 =	sld [smem:$0x3FFD];
	_ =	sdelay $0x3  }
0x97: {  	_ =	strace s4  }
0x98: {  	_ =	strace $0x8FFFFFFF  }
0x99: {  	s19 =	sld [smem:$0x3FDB];
	_ =	sdelay $0x1  }
0x9a: {  	s5 =	simm.s32 $_scs_section_size  }
0x9b: {  	s6 =	simm.s32 $_size__tile_overlayer_lowered;
	s7 =	simm.s32 $_tile_overlayer_lowered  }
0x9c: {  	s22 =	simm.s32 $0x1BFF;
	s21 =	sshll.u32 s7, $0x1;
	s4 =	sadd.s32 s5, s19  }
0x9d: {  	s8 =	simm.s32 $0x0;
	s20 =	sshll.u32 s6, $0x1;
	s6 =	sadd.s32 s21, s4  }
0x9e: {  	[timem:s8], [sflag:s22] =	dma.local [hbm:s6], s20  }
0x9f: {  	_ =	swait.ge [sflag:s22], s20  }
0xa0: {  	s5 =	ssub.s32 $0x0, s20;
	[sflag:s22] =	ssyncset.done $0x0  }
0xa1: {  	[sflag:s22] =	ssyncadd.s32 s5;
	_ =	sdelay $0x1  }
0xa2: {  	s23 =	simm.s32 $0x1B8B  }
0xa3: {  	_ =	swait.ge [sflag:s23], $0x1  }
0xa4: {  	[sflag:s23] =	ssyncset.done $0x0  }
0xa5: {  	s25 =	simm.s32 $0x1B8E;
	s24 =	sld [smem:$0x3FFE];
	[sflag:s23] =	ssyncadd.s32 $0xFFFFFFFF  }
0xa6: {  	s26 =	simm.s32 $execute0_lowered;
	[smem:$0x3FD2] =	sst s25  }
0xa7: {  	s6 =	sshll.u32 s26, $0x1;
	_ =	strace $0x80000046;
	[dreg:$0x1] =	wrdreg $0xFFFFFFFF  }
0xa8: {  	s28 =	simm.s32 $_size_execute0_lowered;
	s4 =	sadd.s32 s4, s6;
	[dreg:$0x0] =	wrdreg $0x0  }
0xa9: {  	s6 =	sshll.u32 s28, $0x1;
	[dreg:$0x2] =	wrdreg s4  }
0xaa: {  	[dreg:$0x3] =	wrdreg s6  }
0xab: {  	[dreg:$0x4] =	wrdreg $0xC0  }
0xac: {  	_ =	task [dreg:s8], $0x5FFFF  }
0xad: {  	[dreg:$0x1] =	wrdreg $0xFFFFFFFF  }
0xae: {  	[dreg:$0x0] =	wrdreg $0x60  }
0xaf: {  	[dreg:$0x2] =	wrdreg s2  }
0xb0: {  	[dreg:$0x3] =	wrdreg s24  }
0xb1: {  	[dreg:$0x4] =	wrdreg s18  }
0xb2: {  	[dreg:$0x5] =	wrdreg $0x9  }
0xb3: {  	_ =	task.clear_ibuf [dreg:s8], $0x6FFFF;
	_ =	strace $0x90000046  }
0xb4: {  	s29 =	simm.s32 $0x9;
	_ =	strace $0x80000048  }
0xb5: {  	_ =	swait.ge [sflag:s29], $0x1  }
0xb6: {  	[sflag:s29] =	ssyncadd.s32 $0xFFFFFFFF  }
0xb7: {  	_ =	strace $0x90000048  }
0xb8: {  	_ =	sfence  }
0xb9: {  	s30 =	sld [smem:$0x0];
	_ =	sdelay $0x2  }
0xba: {  	s31 =	sshll.u32 s1, $0xD;
	s1 =	sshrl.u32 s1, $0x2  }
0xbb: {  	s3 =	sand.u32 $0x4000, s31;
	s1 =	sadd.s32 s1, s30  }
0xbc: {  	s0 =	sor.u32 s3, s0;
	s1 =	sshll.u32 s1, $0x11  }
0xbd: {  	s0 =	sor.u32 s1, s0  }
0xbe: {  	s0 =	sadd.s32 $0x8F2B, s0  }
0xbf: {  	[sflag:s0] =	ssyncadd.remote.s32 $0x1  }
0xc0: {  	_ =	sfence.sel $0xFFFF  }
0xc1: {  	[dreg:$0x0] =	wrdreg $0xFFFFFFFF;
	(pc) =	sbr.abs _section_cstart, $3  }
0xc2: {  	[dreg:$0x1] =	wrdreg $0xFFFFFFFF  }
0xc3: {  	_ =	task.clear_ibuf [dreg:s8], $0x2FFFF;
	_ =	strace $0x9FFFFFFF  }
0xc4: {  	(tm) =	ssettm $0x7FFFFFFF  }
0xc5: {  	_ =	shalt  }
tec
execute0_lowered:
.L_overlay_start_1:
0x0: {  	(tag) =	ssettag $0x1  }
0x1: {  	s3 =	rddreg [dreg:$0x0];
	s1 =	srdreg.scid  }
0x2: {  	s5 =	rddreg [dreg:$0x1];
	s0 =	stileid.u32;
	s19 =	sand.u32 $0x1, s1  }
0x3: {  	s14 =	rddreg [dreg:$0x2];
	s4 =	sshll.u32 s0, $0xA;
	s6 =	sshll.u32 s19, $0x9  }
0x4: {  	s2 =	simm.s32 $0x0;
	s1 =	rddreg [dreg:$0x3];
	s15 =	sor.u32 s6, s4  }
0x5: {  	[smem:$0x7FF] =	sst s2;
	s4 =	sshrl.u32 s15, $0x3  }
0x6: {  	_ =	strace $0x80000047;
	s3 =	sadd.s32 s3, s4;
	s4 =	simm.s32 $0x3  }
0x7: {  	[tilespmem:s2], [sflag:$0x3] =	stream.linear.gather [hbm4b:s3+s2], $0x200, $0x38;
	[tilespmem:$0x10200] =	vst v63  }
0x8: {  	_ =	swait.ge [sflag:s4], $0x200  }
0x9: {  	s7 =	simm.s32 $0x200;
	[sflag:s4] =	ssyncset.done $0x0  }
0xa: {  	s5 =	sadd.s32 $0x1200, s5;
	s6 =	simm.s32 $0x80;
	[sflag:s4] =	ssyncadd.s32 $0xFFFFFE00  }
0xb: {  	[tilespmem:s7], [sflag:$0x1] =	stream.indirect.gather [hbm4b:s5+s6], $0x80, s2, s6, $0xb8;
	[tilespmem:$0x10200] =	vst v63  }
0xc: {  	s8 =	simm.s32 $0x4200  }
0xd: {  	[tilespmem:s8], [sflag:$0x1] =	stream.indirect.gather [hbm4b:s5+s6], $0x80, s6, s6, $0xb8;
	[tilespmem:$0x10200] =	vst v63  }
0xe: {  	s9 =	simm.s32 $0x100;
	s10 =	simm.s32 $0x8200  }
0xf: {  	[tilespmem:s10], [sflag:$0x1] =	stream.indirect.gather [hbm4b:s5+s6], $0x80, s9, s6, $0xb8;
	[tilespmem:$0x10200] =	vst v63  }
0x10: {  	s11 =	simm.s32 $0x180;
	s12 =	simm.s32 $0xC200;
	s13 =	simm.s32 $0x1  }
0x11: {  	[tilespmem:s12], [sflag:$0x1] =	stream.indirect.gather [hbm4b:s5+s6], $0x80, s11, s6, $0xb8;
	[tilespmem:$0x10200] =	vst v63  }
0x12: {  	_ =	swait.ge [sflag:s13], $0x4000  }
0x13: {  	s15 =	sshll.u32 s15, $0x4;
	[sflag:s13] =	ssyncset.done $0x0  }
0x14: {  	s14 =	sadd.s32 s14, s15;
	[sflag:s13] =	ssyncadd.s32 $0xFFFFC000  }
0x15: {  	[hbm4b:s14+s2] =	stream.linear.scatter [tilespmem:s7], [sflag:$0x2], $0x4000, $0x38;
	[tilespmem:$0x10200] =	vst v63  }
0x16: {  	_ =	swait.ge [sflag:s13], $0x4000  }
0x17: {  	[sflag:s13] =	ssyncset.done $0x0  }
0x18: {  	s15 =	sadd.s32 $0x800, s14;
	[sflag:s13] =	ssyncadd.s32 $0xFFFFC000  }
0x19: {  	[hbm4b:s15+s2] =	stream.linear.scatter [tilespmem:s8], [sflag:$0x2], $0x4000, $0x38;
	[tilespmem:$0x10200] =	vst v63  }
0x1a: {  	_ =	swait.ge [sflag:s13], $0x4000  }
0x1b: {  	[sflag:s13] =	ssyncset.done $0x0  }
0x1c: {  	s16 =	sadd.s32 $0x1000, s14;
	[sflag:s13] =	ssyncadd.s32 $0xFFFFC000  }
0x1d: {  	[hbm4b:s16+s2] =	stream.linear.scatter [tilespmem:s10], [sflag:$0x2], $0x4000, $0x38;
	[tilespmem:$0x10200] =	vst v63  }
0x1e: {  	_ =	swait.ge [sflag:s13], $0x4000  }
0x1f: {  	[sflag:s13] =	ssyncset.done $0x0  }
0x20: {  	s17 =	simm.s32 $0x2;
	s18 =	sadd.s32 $0x1800, s14;
	[sflag:s13] =	ssyncadd.s32 $0xFFFFC000  }
0x21: {  	[hbm4b:s18+s2] =	stream.linear.scatter [tilespmem:s12], [sflag:$0x2], $0x4000, $0x38;
	[tilespmem:$0x10200] =	vst v63  }
0x22: {  	_ =	swait.ge [sflag:s17], $0x4000  }
0x23: {  	s19 =	ssub.s32 $0x2, s19;
	[sflag:s17] =	ssyncset.done $0x0  }
0x24: {  	s20 =	sshrl.u32 s19, $0x1;
	[sflag:s17] =	ssyncadd.s32 $0xFFFFC000  }
0x25: {  	s19 =	ssub.s32 s19, s20;
	_ =	swait.ge [sflag:s17], $0x4000  }
0x26: {  	s19 =	smax.u32 s19, $0x1;
	[sflag:s17] =	ssyncset.done $0x0  }
0x27: {  	p0 =	sne.s32 s19, $0x1;
	[sflag:s17] =	ssyncadd.s32 $0xFFFFC000  }
.Ltmp0:
0x28: {  	_ =	swait.ge [sflag:s17], $0x4000;
	(pc) =	sbr.rel @!p0 .LBB2_2-.Ltmp0, $4  }
0x29: {  	[sflag:s17] =	ssyncset.done $0x0  }
0x2a: {  	[sflag:s17] =	ssyncadd.s32 $0xFFFFC000  }
0x2b: {  	_ =	swait.ge [sflag:s17], $0x4000  }
0x2c: {  	s19 =	sadd.s32 $0xFFFFFFFF, s19;
	[sflag:s17] =	ssyncset.done $0x0  }
.LBB2_1:
0x2d: {  	p0 =	sne.s32 s19, $0x1;
	s19 =	sadd.s32 $0xFFFFFFFF, s19;
	[sflag:s17] =	ssyncadd.s32 $0xFFFFC000  }
0x2e: {  	[tilespmem:s2], [sflag:$0x3] =	stream.linear.gather [hbm4b:s3+s2], $0x200, $0x38;
	[tilespmem:$0x10200] =	vst v63  }
0x2f: {  	_ =	swait.ge [sflag:s4], $0x200  }
0x30: {  	[sflag:s4] =	ssyncset.done $0x0  }
0x31: {  	[sflag:s4] =	ssyncadd.s32 $0xFFFFFE00  }
0x32: {  	[tilespmem:s7], [sflag:$0x1] =	stream.indirect.gather [hbm4b:s5+s6], $0x80, s2, s6, $0xb8;
	[tilespmem:$0x10200] =	vst v63  }
0x33: {  	_ = 	snop  }
0x34: {  	[tilespmem:s8], [sflag:$0x1] =	stream.indirect.gather [hbm4b:s5+s6], $0x80, s6, s6, $0xb8;
	[tilespmem:$0x10200] =	vst v63  }
0x35: {  	_ = 	snop  }
0x36: {  	[tilespmem:s10], [sflag:$0x1] =	stream.indirect.gather [hbm4b:s5+s6], $0x80, s9, s6, $0xb8;
	[tilespmem:$0x10200] =	vst v63  }
0x37: {  	_ = 	snop  }
0x38: {  	[tilespmem:s12], [sflag:$0x1] =	stream.indirect.gather [hbm4b:s5+s6], $0x80, s11, s6, $0xb8;
	[tilespmem:$0x10200] =	vst v63  }
0x39: {  	_ =	swait.ge [sflag:s13], $0x4000  }
0x3a: {  	[sflag:s13] =	ssyncset.done $0x0  }
0x3b: {  	[sflag:s13] =	ssyncadd.s32 $0xFFFFC000  }
0x3c: {  	[hbm4b:s14+s2] =	stream.linear.scatter [tilespmem:s7], [sflag:$0x2], $0x4000, $0x38;
	[tilespmem:$0x10200] =	vst v63  }
0x3d: {  	_ =	swait.ge [sflag:s13], $0x4000  }
0x3e: {  	[sflag:s13] =	ssyncset.done $0x0  }
0x3f: {  	[sflag:s13] =	ssyncadd.s32 $0xFFFFC000  }
0x40: {  	[hbm4b:s15+s2] =	stream.linear.scatter [tilespmem:s8], [sflag:$0x2], $0x4000, $0x38;
	[tilespmem:$0x10200] =	vst v63  }
0x41: {  	_ =	swait.ge [sflag:s13], $0x4000  }
0x42: {  	[sflag:s13] =	ssyncset.done $0x0  }
0x43: {  	[sflag:s13] =	ssyncadd.s32 $0xFFFFC000  }
0x44: {  	[hbm4b:s16+s2] =	stream.linear.scatter [tilespmem:s10], [sflag:$0x2], $0x4000, $0x38;
	[tilespmem:$0x10200] =	vst v63  }
0x45: {  	_ =	swait.ge [sflag:s13], $0x4000  }
0x46: {  	[sflag:s13] =	ssyncset.done $0x0  }
0x47: {  	[sflag:s13] =	ssyncadd.s32 $0xFFFFC000  }
0x48: {  	[hbm4b:s18+s2] =	stream.linear.scatter [tilespmem:s12], [sflag:$0x2], $0x4000, $0x38;
	[tilespmem:$0x10200] =	vst v63  }
0x49: {  	_ =	swait.ge [sflag:s17], $0x4000  }
0x4a: {  	[sflag:s17] =	ssyncset.done $0x0  }
0x4b: {  	[sflag:s17] =	ssyncadd.s32 $0xFFFFC000  }
0x4c: {  	_ =	swait.ge [sflag:s17], $0x4000  }
0x4d: {  	[sflag:s17] =	ssyncset.done $0x0  }
0x4e: {  	[sflag:s17] =	ssyncadd.s32 $0xFFFFC000  }
.Ltmp1:
0x4f: {  	_ =	swait.ge [sflag:s17], $0x4000;
	(pc) =	sbr.rel @p0 .LBB2_1-.Ltmp1, $4  }
0x50: {  	[sflag:s17] =	ssyncset.done $0x0  }
0x51: {  	[sflag:s17] =	ssyncadd.s32 $0xFFFFC000  }
0x52: {  	_ =	swait.ge [sflag:s17], $0x4000  }
0x53: {  	[sflag:s17] =	ssyncset.done $0x0  }
.LBB2_2:
0x54: {  	[sflag:s17] =	ssyncadd.s32 $0xFFFFC000  }
0x55: {  	_ =	sfence.sel $0x180000  }
0x56: {  	[bflag:$0x0] =	sbarrier.arrive $0xFFFF  }
0x57: {  	p0 =	sne.s32 s0, $0x0;
	_ =	strace $0x90000047  }
0x58: {  	s0 =	sadd.s32 @!p0 $0x100000, s1;
	[bflag:$0x2] =	sbarrier.arrive $0xFFFF  }
0x59: {  	[sflag:s0] =	ssyncadd.tile.s32 @!p0 $0x1;
	_ =	shalt  }
.Lfunc_end2:
_tile_overlayer_lowered:
.L_overlay_start_2:
0x5a: {  	(tag) =	ssettag $0x2  }
0x5b: {  	s0 =	rddreg [dreg:$0x0];
	s2 =	stileid.u32  }
0x5c: {  	s1 =	rddreg [dreg:$0x1];
	p0 =	sne.s32 s2, $0x0  }
0x5d: {  	s3 =	rddreg [dreg:$0x2];
	[bflag:$0x3] =	sbarrier.arrive $0xFFFF;
	s2 =	simm.s32 @!p0 $0x1C03  }
0x5e: {  	[timem:s3], [sflag:s2] =	dma.local @!p0 [hbm:s0], s1  }
0x5f: {  	s0 =	simm.s32 @!p0 $0x3  }
0x60: {  	_ =	swait.ge @!p0 [sflag:s0], s1  }
0x61: {  	s1 =	ssub.s32 @!p0 $0x0, s1;
	[sflag:s0] =	ssyncset.done @!p0 $0x0  }
0x62: {  	[sflag:s0] =	ssyncadd.s32 @!p0 s1  }
0x63: {  	[bflag:$0x3] =	sbarrier.arrive $0xFFFF  }
0x64: {  	_ =	shalt  }

</sc_bundles>
